<compile_context>
chip_gen: v7x
topology: tpu7x:2x2x1
jax: 0.10.2.dev20260603
libtpu: 0.0.44.dev20260713+nightly
codegen_flags: <defaults>
</compile_context>

<pallas_src>
import jax
import jax.numpy as jnp
from jax import lax
from jax.experimental import pallas as pl
from jax.experimental.pallas import tpu as pltpu

_K = 100
_CC = 16
_NCAT = 80
_NROW = _NCAT * 64
_CROW = _CC * 64


def _decode_kernel(h_ref, os_ref, oi_ref, oc_ref, cand_ref, cidx_ref):
    j = pl.program_id(1)
    nchunk = pl.num_programs(1)

    h = h_ref[0]
    x_e = h[:, :, 0, :]
    x_o = h[:, :, 1, :]

    neg = jnp.full_like(x_e[:, :1, :], -jnp.inf)
    x_o_up = jnp.concatenate([neg, x_o[:, :-1, :]], axis=1)
    x_e_dn = jnp.concatenate([x_e[:, 1:, :], neg], axis=1)
    vm_e = jnp.maximum(jnp.maximum(x_e, x_o), x_o_up)
    vm_o = jnp.maximum(jnp.maximum(x_o, x_e), x_e_dn)

    negc = jnp.full_like(x_e[:, :, :1], -jnp.inf)

    def h3(v):
        l = jnp.concatenate([v[:, :, 1:], negc], axis=2)
        r = jnp.concatenate([negc, v[:, :, :-1]], axis=2)
        return jnp.maximum(jnp.maximum(v, l), r)

    nms_e = x_e * (h3(vm_e) == x_e).astype(x_e.dtype)
    nms_o = x_o * (h3(vm_o) == x_o).astype(x_o.dtype)

    i_iota = lax.broadcasted_iota(jnp.int32, nms_e.shape, 1)
    c_iota = lax.broadcasted_iota(jnp.int32, nms_e.shape, 2)
    fe = (2 * i_iota) * 128 + c_iota
    v1 = jnp.maximum(nms_e, nms_o)
    i1 = jnp.where(nms_e >= nms_o, fe, fe + 128).astype(jnp.float32)

    r_i = lax.broadcasted_iota(jnp.int32, (128, 64), 0)
    c_j = lax.broadcasted_iota(jnp.int32, (128, 64), 1)
    e_sel = (r_i == 2 * c_j).astype(jnp.float32)
    o_sel = (r_i == 2 * c_j + 1).astype(jnp.float32)

    v2 = v1.reshape(_CROW, 128)
    i2 = i1.reshape(_CROW, 128)
    c = jnp.dot(v2, e_sel, preferred_element_type=jnp.float32)
    d = jnp.dot(v2, o_sel, preferred_element_type=jnp.float32)
    ic = jnp.dot(i2, e_sel, preferred_element_type=jnp.float32)
    io = jnp.dot(i2, o_sel, preferred_element_type=jnp.float32)

    cand_ref[pl.ds(j * _CROW, _CROW), :] = jnp.maximum(c, d)
    cidx_ref[pl.ds(j * _CROW, _CROW), :] = jnp.where(c >= d, ic, io).astype(jnp.int32)

    @pl.when(j == nchunk - 1)
    def _extract():
        rowmax = jnp.max(cand_ref[...].reshape(_NROW // 128, 128, 64), axis=-1)
        fi = (lax.broadcasted_iota(jnp.int32, rowmax.shape, 0) * 128
              + lax.broadcasted_iota(jnp.int32, rowmax.shape, 1))
        kio = lax.broadcasted_iota(jnp.int32, (1, 128), 1)
        lane = lax.broadcasted_iota(jnp.int32, (1, 64), 1)
        big = jnp.int32(1 << 30)

        def body(k, carry):
            rmax, sc, iv, cv = carry
            m = jnp.max(rmax)
            pos = jnp.min(jnp.where(rmax == m, fi, big))
            row = cand_ref[pl.ds(pos, 1), :]
            lpos = jnp.min(jnp.where(row == m, lane, 64))
            mask = (row == m) & (lane == lpos)
            myidx = jnp.sum(jnp.where(mask, cidx_ref[pl.ds(pos, 1), :], 0))
            new_row = jnp.where(mask, 0.0, row)
            cand_ref[pl.ds(pos, 1), :] = new_row
            rmax = jnp.where(fi == pos, jnp.max(new_row), rmax)
            sc = jnp.where(kio == k, m, sc)
            iv = jnp.where(kio == k, myidx, iv)
            cv = jnp.where(kio == k, pos // 64, cv)
            return rmax, sc, iv, cv

        init = (rowmax,
                jnp.zeros((1, 128), jnp.float32),
                jnp.zeros((1, 128), jnp.int32),
                jnp.zeros((1, 128), jnp.int32))
        _, sc, iv, cv = lax.fori_loop(0, _K, body, init)
        os_ref[0] = sc
        oi_ref[0] = iv
        oc_ref[0] = cv


def _decode_topk(heat):
    b, cat, hh, ww = heat.shape
    hr = heat.reshape(b, cat, hh // 2, 2, ww)
    return pl.pallas_call(
        _decode_kernel,
        grid=(b, cat // _CC),
        in_specs=[pl.BlockSpec((1, _CC, hh // 2, 2, ww),
                               lambda i, j: (i, j, 0, 0, 0))],
        out_specs=[
            pl.BlockSpec((1, 1, 128), lambda i, j: (i, 0, 0)),
            pl.BlockSpec((1, 1, 128), lambda i, j: (i, 0, 0)),
            pl.BlockSpec((1, 1, 128), lambda i, j: (i, 0, 0)),
        ],
        out_shape=[
            jax.ShapeDtypeStruct((b, 1, 128), jnp.float32),
            jax.ShapeDtypeStruct((b, 1, 128), jnp.int32),
            jax.ShapeDtypeStruct((b, 1, 128), jnp.int32),
        ],
        scratch_shapes=[
            pltpu.VMEM((_NROW, 64), jnp.float32),
            pltpu.VMEM((_NROW, 64), jnp.int32),
        ],
    )(hr)


def kernel(heat, wh, reg):
    batch, cat, height, width = heat.shape
    hw = height * width
    sc, iv, cv = _decode_topk(heat)
    scores = sc[:, 0, :_K]
    inds = iv[:, 0, :_K]
    clses = cv[:, 0, :_K]
    ys = (inds // width).astype(jnp.float32)
    xs = (inds % width).astype(jnp.float32)

    reg_f = reg.transpose(0, 2, 3, 1).reshape(batch, hw, 2)
    wh_f = wh.transpose(0, 2, 3, 1).reshape(batch, hw, 2)
    reg_g = jnp.take_along_axis(reg_f, inds[:, :, None], axis=1)
    wh_g = jnp.take_along_axis(wh_f, inds[:, :, None], axis=1)

    xs = xs[:, :, None] + reg_g[:, :, 0:1]
    ys = ys[:, :, None] + reg_g[:, :, 1:2]
    bboxes = jnp.concatenate([
        xs - wh_g[..., 0:1] / 2,
        ys - wh_g[..., 1:2] / 2,
        xs + wh_g[..., 0:1] / 2,
        ys + wh_g[..., 1:2] / 2,
    ], axis=2)
    detections = jnp.concatenate(
        [bboxes, scores[:, :, None], clses[:, :, None].astype(jnp.float32)],
        axis=2)
    return detections

# --- scband reference (transcript-rebuilt; emitter-appended) ---
"""Pipeline reference for scband-decoder-31009663877186 (READ-ONLY COPY).

The authoritative reference and input builder live on the scoring server;
editing this copy changes nothing except your own understanding.
"""

import jax, jax.numpy as jnp
import numpy as np
from jax import lax

K_BOXES = 100

def _nms(heat, kernel=3):
    pad = (kernel - 1) // 2
    hmax = lax.reduce_window(heat, -jnp.inf, lax.max,
                             window_dimensions=(1, 1, kernel, kernel),
                             window_strides=(1, 1, 1, 1),
                             padding=[(0, 0), (0, 0), (pad, pad), (pad, pad)])
    keep = (hmax == heat).astype(heat.dtype)
    return heat * keep

def _gather_feat(feat, ind):
    # feat: [B, N, d], ind: [B, K] -> [B, K, d]
    return jnp.take_along_axis(feat, ind[:, :, None], axis=1)

def _topk(scores, K=40):
    batch, cat, height, width = scores.shape
    topk_scores, topk_inds = lax.top_k(scores.reshape(batch, cat, -1), K)
    topk_inds = topk_inds % (height * width)
    topk_ys = (topk_inds // width).astype(jnp.float32)
    topk_xs = (topk_inds % width).astype(jnp.float32)
    topk_score, topk_ind = lax.top_k(topk_scores.reshape(batch, -1), K)
    topk_clses = (topk_ind // K).astype(jnp.int32)
    topk_inds_g = _gather_feat(topk_inds.reshape(batch, -1, 1), topk_ind).reshape(batch, K)
    topk_ys_g = _gather_feat(topk_ys.reshape(batch, -1, 1), topk_ind).reshape(batch, K)
    topk_xs_g = _gather_feat(topk_xs.reshape(batch, -1, 1), topk_ind).reshape(batch, K)
    return topk_score, topk_inds_g, topk_clses, topk_ys_g, topk_xs_g

def _transpose_and_gather_feat(feat, ind):
    # feat: [B, c, H, W] -> [B, H*W, c], gather rows by ind
    b, c, h, w = feat.shape
    feat = jnp.transpose(feat, (0, 2, 3, 1)).reshape(b, h * w, c)
    return _gather_feat(feat, ind)

def ctdet_decode(heat, wh, reg=None, cat_spec_wh=False, K=100):
    batch, cat, height, width = heat.shape
    heat = _nms(heat)
    scores, inds, clses, ys, xs = _topk(heat, K=K)
    if reg is not None:
        reg_g = _transpose_and_gather_feat(reg, inds).reshape(batch, K, 2)
        xs = xs.reshape(batch, K, 1) + reg_g[:, :, 0:1]
        ys = ys.reshape(batch, K, 1) + reg_g[:, :, 1:2]
    else:
        xs = xs.reshape(batch, K, 1) + 0.5
        ys = ys.reshape(batch, K, 1) + 0.5
    wh_g = _transpose_and_gather_feat(wh, inds)
    wh_g = wh_g.reshape(batch, K, 2)
    clses_f = clses.reshape(batch, K, 1).astype(jnp.float32)
    scores_f = scores.reshape(batch, K, 1)
    bboxes = jnp.concatenate([xs - wh_g[..., 0:1] / 2,
                              ys - wh_g[..., 1:2] / 2,
                              xs + wh_g[..., 0:1] / 2,
                              ys + wh_g[..., 1:2] / 2], axis=2)
    detections = jnp.concatenate([bboxes, scores_f, clses_f], axis=2)
    return detections

def setup_inputs(seed: int = 0) -> dict:
    key = jax.random.key(seed)
    k1, k2, k3 = jax.random.split(key, 3)
    heat = jax.random.uniform(k1, (16, 80, 128, 128), dtype=jnp.float32)
    wh = jax.random.normal(k2, (16, 2, 128, 128), dtype=jnp.float32)
    reg = jax.random.normal(k3, (16, 2, 128, 128), dtype=jnp.float32)
    return {"heat": heat, "wh": wh, "reg": reg}

def reference(heat, wh, reg):
    return ctdet_decode(heat, wh, reg, cat_spec_wh=False, K=K_BOXES)

if __name__ == "__main__":
    import jax
    _d = setup_inputs()
    print(jax.jit(kernel)(*tuple(_d.values())))

</pallas_src>

<mosaic_0001>
module attributes {stable_mosaic.version = 14 : i64} {
  func.func @_decode_kernel(%arg0: i32, %arg1: i32, %arg2: memref<1x16x64x2x128xf32, #tpu.memory_space<vmem>>, %arg3: memref<1x1x128xf32, #tpu.memory_space<vmem>>, %arg4: memref<1x1x128xi32, #tpu.memory_space<vmem>>, %arg5: memref<1x1x128xi32, #tpu.memory_space<vmem>>, %arg6: memref<5120x64xf32, #tpu.memory_space<vmem>>, %arg7: memref<5120x64xi32, #tpu.memory_space<vmem>>) attributes {dimension_semantics = [#tpu.dimension_semantics<arbitrary>, #tpu.dimension_semantics<arbitrary>], iteration_bounds = array<i64: 16, 5>, scalar_prefetch = 0 : i64, scratch_operands = 2 : i64, tpu.core_type = #tpu.core_type<tc>, window_params = [{transform_indices = @transform_0, window_bounds = array<i64: 1, 16, 64, 2, 128>}, {transform_indices = @transform_1, window_bounds = array<i64: 1, 1, 128>}, {transform_indices = @transform_2, window_bounds = array<i64: 1, 1, 128>}, {transform_indices = @transform_3, window_bounds = array<i64: 1, 1, 128>}]} {
    %get3A = arith.constant 0 : index
    %get3A_0 = arith.constant 0 : index
    %get3A_1 = arith.constant 0 : index
    %get3A_2 = arith.constant 0 : index
    %get3A_3 = arith.constant 0 : index
    %get3A_4 = vector.load %arg2[%get3A, %get3A_0, %get3A_1, %get3A_2, %get3A_3] : memref<1x16x64x2x128xf32, #tpu.memory_space<vmem>>, vector<1x16x64x2x128xf32>
    %get3A_5 = vector.shape_cast %get3A_4 : vector<1x16x64x2x128xf32> to vector<16x64x2x128xf32>
    %slice3A = vector.extract_strided_slice %get3A_5 {offsets = [0, 0, 0, 0], sizes = [16, 64, 1, 128], strides = [1, 1, 1, 1]} : vector<16x64x2x128xf32> to vector<16x64x1x128xf32>
    %squeeze3A = vector.shape_cast %slice3A : vector<16x64x1x128xf32> to vector<16x64x128xf32>
    %slice3A_6 = vector.extract_strided_slice %get3A_5 {offsets = [0, 0, 1, 0], sizes = [16, 64, 1, 128], strides = [1, 1, 1, 1]} : vector<16x64x2x128xf32> to vector<16x64x1x128xf32>
    %squeeze3A_7 = vector.shape_cast %slice3A_6 : vector<16x64x1x128xf32> to vector<16x64x128xf32>
    %broadcast_in_dim3A = arith.constant 0xFF800000 : f32
    %broadcast_in_dim3A_8 = vector.broadcast %broadcast_in_dim3A : f32 to vector<16x1x128xf32>
    %slice3A_9 = vector.extract_strided_slice %squeeze3A_7 {offsets = [0, 0, 0], sizes = [16, 63, 128], strides = [1, 1, 1]} : vector<16x64x128xf32> to vector<16x63x128xf32>
    %concatenate3A = tpu.concatenate %broadcast_in_dim3A_8, %slice3A_9 in 1 : vector<16x1x128xf32>, vector<16x63x128xf32> -> vector<16x64x128xf32>
    %slice3A_10 = vector.extract_strided_slice %squeeze3A {offsets = [0, 1, 0], sizes = [16, 63, 128], strides = [1, 1, 1]} : vector<16x64x128xf32> to vector<16x63x128xf32>
    %concatenate3A_11 = tpu.concatenate %slice3A_10, %broadcast_in_dim3A_8 in 1 : vector<16x63x128xf32>, vector<16x1x128xf32> -> vector<16x64x128xf32>
    %max3A = arith.maximumf %squeeze3A, %squeeze3A_7 : vector<16x64x128xf32>
    %max3A_12 = arith.maximumf %max3A, %concatenate3A : vector<16x64x128xf32>
    %max3A_13 = arith.maximumf %squeeze3A_7, %squeeze3A : vector<16x64x128xf32>
    %max3A_14 = arith.maximumf %max3A_13, %concatenate3A_11 : vector<16x64x128xf32>
    %broadcast_in_dim3A_15 = arith.constant 0xFF800000 : f32
    %broadcast_in_dim3A_16 = vector.broadcast %broadcast_in_dim3A_15 : f32 to vector<16x64x1xf32>
    %slice3A_17 = vector.extract_strided_slice %max3A_12 {offsets = [0, 0, 1], sizes = [16, 64, 127], strides = [1, 1, 1]} : vector<16x64x128xf32> to vector<16x64x127xf32>
    %concatenate3A_18 = tpu.concatenate %slice3A_17, %broadcast_in_dim3A_16 in 2 : vector<16x64x127xf32>, vector<16x64x1xf32> -> vector<16x64x128xf32>
    %slice3A_19 = vector.extract_strided_slice %max3A_12 {offsets = [0, 0, 0], sizes = [16, 64, 127], strides = [1, 1, 1]} : vector<16x64x128xf32> to vector<16x64x127xf32>
    %concatenate3A_20 = tpu.concatenate %broadcast_in_dim3A_16, %slice3A_19 in 2 : vector<16x64x1xf32>, vector<16x64x127xf32> -> vector<16x64x128xf32>
    %max3A_21 = arith.maximumf %max3A_12, %concatenate3A_18 : vector<16x64x128xf32>
    %max3A_22 = arith.maximumf %max3A_21, %concatenate3A_20 : vector<16x64x128xf32>
    %eq3A = arith.cmpf oeq, %max3A_22, %squeeze3A : vector<16x64x128xf32>
    %convert_element_type3A = arith.extui %eq3A : vector<16x64x128xi1> to vector<16x64x128xi32>
    %convert_element_type3A_23 = arith.sitofp %convert_element_type3A : vector<16x64x128xi32> to vector<16x64x128xf32>
    %mul3A = arith.mulf %squeeze3A, %convert_element_type3A_23 : vector<16x64x128xf32>
    %slice3A_24 = vector.extract_strided_slice %max3A_14 {offsets = [0, 0, 1], sizes = [16, 64, 127], strides = [1, 1, 1]} : vector<16x64x128xf32> to vector<16x64x127xf32>
    %concatenate3A_25 = tpu.concatenate %slice3A_24, %broadcast_in_dim3A_16 in 2 : vector<16x64x127xf32>, vector<16x64x1xf32> -> vector<16x64x128xf32>
    %slice3A_26 = vector.extract_strided_slice %max3A_14 {offsets = [0, 0, 0], sizes = [16, 64, 127], strides = [1, 1, 1]} : vector<16x64x128xf32> to vector<16x64x127xf32>
    %concatenate3A_27 = tpu.concatenate %broadcast_in_dim3A_16, %slice3A_26 in 2 : vector<16x64x1xf32>, vector<16x64x127xf32> -> vector<16x64x128xf32>
    %max3A_28 = arith.maximumf %max3A_14, %concatenate3A_25 : vector<16x64x128xf32>
    %max3A_29 = arith.maximumf %max3A_28, %concatenate3A_27 : vector<16x64x128xf32>
    %eq3A_30 = arith.cmpf oeq, %max3A_29, %squeeze3A_7 : vector<16x64x128xf32>
    %convert_element_type3A_31 = arith.extui %eq3A_30 : vector<16x64x128xi1> to vector<16x64x128xi32>
    %convert_element_type3A_32 = arith.sitofp %convert_element_type3A_31 : vector<16x64x128xi32> to vector<16x64x128xf32>
    %mul3A_33 = arith.mulf %squeeze3A_7, %convert_element_type3A_32 : vector<16x64x128xf32>
    %iota3A = tpu.iota {dimensions = array<i32: 1>} : vector<16x64x128xi32>
    %iota3A_34 = tpu.iota {dimensions = array<i32: 2>} : vector<16x64x128xi32>
    %mul3A_35 = arith.constant 2 : i32
    %mul3A_36 = vector.broadcast %mul3A_35 : i32 to vector<16x64x128xi32>
    %mul3A_37 = arith.muli %mul3A_36, %iota3A : vector<16x64x128xi32>
    %mul3A_38 = arith.constant 128 : i32
    %mul3A_39 = vector.broadcast %mul3A_38 : i32 to vector<16x64x128xi32>
    %mul3A_40 = arith.muli %mul3A_37, %mul3A_39 : vector<16x64x128xi32>
    %add3A = arith.addi %mul3A_40, %iota3A_34 : vector<16x64x128xi32>
    %max3A_41 = arith.maximumf %mul3A, %mul3A_33 : vector<16x64x128xf32>
    %ge3A = arith.cmpf oge, %mul3A, %mul3A_33 : vector<16x64x128xf32>
    %add3A_42 = arith.constant 128 : i32
    %add3A_43 = vector.broadcast %add3A_42 : i32 to vector<16x64x128xi32>
    %add3A_44 = arith.addi %add3A, %add3A_43 : vector<16x64x128xi32>
    %select_n3A = arith.select %ge3A, %add3A, %add3A_44 : vector<16x64x128xi1>, vector<16x64x128xi32>
    %convert_element_type3A_45 = arith.sitofp %select_n3A : vector<16x64x128xi32> to vector<16x64x128xf32>
    %iota3A_46 = tpu.iota {dimensions = array<i32: 0>} : vector<128x64xi32>
    %iota3A_47 = tpu.iota {dimensions = array<i32: 1>} : vector<128x64xi32>
    %mul3A_48 = arith.constant 2 : i32
    %mul3A_49 = vector.broadcast %mul3A_48 : i32 to vector<128x64xi32>
    %mul3A_50 = arith.muli %mul3A_49, %iota3A_47 : vector<128x64xi32>
    %eq3A_51 = arith.cmpi eq, %iota3A_46, %mul3A_50 : vector<128x64xi32>
    %convert_element_type3A_52 = arith.extui %eq3A_51 : vector<128x64xi1> to vector<128x64xi32>
    %convert_element_type3A_53 = arith.sitofp %convert_element_type3A_52 : vector<128x64xi32> to vector<128x64xf32>
    %mul3A_54 = arith.constant 2 : i32
    %mul3A_55 = vector.broadcast %mul3A_54 : i32 to vector<128x64xi32>
    %mul3A_56 = arith.muli %mul3A_55, %iota3A_47 : vector<128x64xi32>
    %add3A_57 = arith.constant 1 : i32
    %add3A_58 = vector.broadcast %add3A_57 : i32 to vector<128x64xi32>
    %add3A_59 = arith.addi %mul3A_56, %add3A_58 : vector<128x64xi32>
    %eq3A_60 = arith.cmpi eq, %iota3A_46, %add3A_59 : vector<128x64xi32>
    %convert_element_type3A_61 = arith.extui %eq3A_60 : vector<128x64xi1> to vector<128x64xi32>
    %convert_element_type3A_62 = arith.sitofp %convert_element_type3A_61 : vector<128x64xi32> to vector<128x64xf32>
    %reshape3A = vector.shape_cast %max3A_41 : vector<16x64x128xf32> to vector<1024x128xf32>
    %reshape3A_63 = vector.shape_cast %convert_element_type3A_45 : vector<16x64x128xf32> to vector<1024x128xf32>
    %dot_general3A = arith.constant dense<0.000000e+00> : vector<1024x64xf32>
    %dot_general3A_64 = tpu.matmul %reshape3A, %convert_element_type3A_53, %dot_general3A {dimension_numbers = #tpu.dot_dimension_numbers<[1], [0], [0], [1], [0, 0, 1, 1], [], []>, transpose_lhs_hint = false} : vector<1024x128xf32>, vector<128x64xf32>, vector<1024x64xf32> -> vector<1024x64xf32>
    %dot_general3A_65 = arith.constant dense<0.000000e+00> : vector<1024x64xf32>
    %dot_general3A_66 = tpu.matmul %reshape3A, %convert_element_type3A_62, %dot_general3A_65 {dimension_numbers = #tpu.dot_dimension_numbers<[1], [0], [0], [1], [0, 0, 1, 1], [], []>, transpose_lhs_hint = false} : vector<1024x128xf32>, vector<128x64xf32>, vector<1024x64xf32> -> vector<1024x64xf32>
    %dot_general3A_67 = arith.constant dense<0.000000e+00> : vector<1024x64xf32>
    %dot_general3A_68 = tpu.matmul %reshape3A_63, %convert_element_type3A_53, %dot_general3A_67 {dimension_numbers = #tpu.dot_dimension_numbers<[1], [0], [0], [1], [0, 0, 1, 1], [], []>, transpose_lhs_hint = false} : vector<1024x128xf32>, vector<128x64xf32>, vector<1024x64xf32> -> vector<1024x64xf32>
    %dot_general3A_69 = arith.constant dense<0.000000e+00> : vector<1024x64xf32>
    %dot_general3A_70 = tpu.matmul %reshape3A_63, %convert_element_type3A_62, %dot_general3A_69 {dimension_numbers = #tpu.dot_dimension_numbers<[1], [0], [0], [1], [0, 0, 1, 1], [], []>, transpose_lhs_hint = false} : vector<1024x128xf32>, vector<128x64xf32>, vector<1024x64xf32> -> vector<1024x64xf32>
    %max3A_71 = arith.maximumf %dot_general3A_64, %dot_general3A_66 : vector<1024x64xf32>
    %mul3A_72 = arith.constant 1024 : i32
    %mul3A_73 = arith.muli %arg1, %mul3A_72 : i32
    %swap3A = arith.index_cast %mul3A_73 : i32 to index
    %swap3A_74 = arith.constant 0 : index
    %swap3A_75 = vector.load %arg6[%swap3A, %swap3A_74] : memref<5120x64xf32, #tpu.memory_space<vmem>>, vector<1024x64xf32>
    tpu.vector_store %arg6[%swap3A, %swap3A_74], %max3A_71 {strides = array<i32>} : memref<5120x64xf32, #tpu.memory_space<vmem>>, vector<1024x64xf32>,
    %ge3A_76 = arith.cmpf oge, %dot_general3A_64, %dot_general3A_66 : vector<1024x64xf32>
    %select_n3A_77 = arith.select %ge3A_76, %dot_general3A_68, %dot_general3A_70 : vector<1024x64xi1>, vector<1024x64xf32>
    %convert_element_type3A_78 = arith.fptosi %select_n3A_77 : vector<1024x64xf32> to vector<1024x64xi32>
    %mul3A_79 = arith.constant 1024 : i32
    %mul3A_80 = arith.muli %arg1, %mul3A_79 : i32
    %swap3A_81 = arith.index_cast %mul3A_80 : i32 to index
    %swap3A_82 = arith.constant 0 : index
    %swap3A_83 = vector.load %arg7[%swap3A_81, %swap3A_82] : memref<5120x64xi32, #tpu.memory_space<vmem>>, vector<1024x64xi32>
    tpu.vector_store %arg7[%swap3A_81, %swap3A_82], %convert_element_type3A_78 {strides = array<i32>} : memref<5120x64xi32, #tpu.memory_space<vmem>>, vector<1024x64xi32>,
    %eq3A_84 = arith.constant 4 : i32
    %eq3A_85 = arith.cmpi eq, %arg1, %eq3A_84 : i32
    %convert_element_type3A_86 = arith.extui %eq3A_85 : i1 to i32
    %cond3A = arith.constant 0 : i32
    %cond3A_87 = arith.cmpi ne, %convert_element_type3A_86, %cond3A : i32
    scf.if %cond3A_87 {
      %get3A_88 = arith.constant 0 : index
      %get3A_89 = arith.constant 0 : index
      %get3A_90 = vector.load %arg6[%get3A_88, %get3A_89] : memref<5120x64xf32, #tpu.memory_space<vmem>>, vector<5120x64xf32>
      %reshape3A_91 = vector.shape_cast %get3A_90 : vector<5120x64xf32> to vector<40x128x64xf32>
      %reduce_max3A = arith.constant dense<0xFF800000> : vector<40x128xf32>
      %reduce_max3A_92 = vector.multi_reduction <maximumf>, %reshape3A_91, %reduce_max3A [2] : vector<40x128x64xf32> to vector<40x128xf32>
      %iota3A_93 = tpu.iota {dimensions = array<i32: 0>} : vector<40x128xi32>
      %mul3A_94 = arith.constant 128 : i32
      %mul3A_95 = vector.broadcast %mul3A_94 : i32 to vector<40x128xi32>
      %mul3A_96 = arith.muli %iota3A_93, %mul3A_95 : vector<40x128xi32>
      %iota3A_97 = tpu.iota {dimensions = array<i32: 1>} : vector<40x128xi32>
      %add3A_98 = arith.addi %mul3A_96, %iota3A_97 : vector<40x128xi32>
      %iota3A_99 = tpu.iota {dimensions = array<i32: 1>} : vector<1x128xi32>
      %iota3A_100 = tpu.iota {dimensions = array<i32: 1>} : vector<1x64xi32>
      %broadcast_in_dim3A_101 = arith.constant 0.000000e+00 : f32
      %broadcast_in_dim3A_102 = vector.broadcast %broadcast_in_dim3A_101 : f32 to vector<1x128xf32>
      %broadcast_in_dim3A_103 = arith.constant 0 : i32
      %broadcast_in_dim3A_104 = vector.broadcast %broadcast_in_dim3A_103 : i32 to vector<1x128xi32>
      %broadcast_in_dim3A_105 = arith.constant 0 : i32
      %broadcast_in_dim3A_106 = vector.broadcast %broadcast_in_dim3A_105 : i32 to vector<1x128xi32>
      %scan3A = arith.constant 1073741824 : i32
      %scan3A_107 = arith.constant 0 : i32
      %scan3A_108 = arith.constant 100 : i32
      %scan3A_109 = arith.addi %scan3A_107, %scan3A_108 : i32
      %scan3A_110 = arith.constant 1 : i32
      %scan3A_111:4 = scf.for %scan3A_131 = %scan3A_107 to %scan3A_109 step %scan3A_110 iter_args(%scan3A_132 = %reduce_max3A_92, %scan3A_133 = %broadcast_in_dim3A_102, %scan3A_134 = %broadcast_in_dim3A_104, %scan3A_135 = %broadcast_in_dim3A_106) -> (vector<40x128xf32>, vector<1x128xf32>, vector<1x128xi32>, vector<1x128xi32>)  : i32 {
        %reduce_max3A_136 = vector.shape_cast %scan3A_132 : vector<40x128xf32> to vector<1x40x128xf32>
        %reduce_max3A_137 = arith.constant dense<0xFF800000> : vector<1xf32>
        %reduce_max3A_138 = vector.multi_reduction <maximumf>, %reduce_max3A_136, %reduce_max3A_137 [1, 2] : vector<1x40x128xf32> to vector<1xf32>
        %reduce_max3A_139 = vector.shape_cast %reduce_max3A_138 : vector<1xf32> to vector<1x1x1xf32>
        %reduce_max3A_140 = vector.extract %reduce_max3A_139[0, 0, 0] : f32 from vector<1x1x1xf32>
        %eq3A_141 = vector.broadcast %reduce_max3A_140 : f32 to vector<40x128xf32>
        %eq3A_142 = arith.cmpf oeq, %scan3A_132, %eq3A_141 : vector<40x128xf32>
        %broadcast_in_dim3A_143 = vector.broadcast %scan3A : i32 to vector<40x128xi32>
        %select_n3A_144 = arith.select %eq3A_142, %add3A_98, %broadcast_in_dim3A_143 : vector<40x128xi1>, vector<40x128xi32>
        %reduce_min3A = vector.shape_cast %select_n3A_144 : vector<40x128xi32> to vector<1x40x128xi32>
        %reduce_min3A_145 = arith.constant dense<2147483647> : vector<1xi32>
        %reduce_min3A_146 = vector.multi_reduction <minsi>, %reduce_min3A, %reduce_min3A_145 [1, 2] : vector<1x40x128xi32> to vector<1xi32>
        %reduce_min3A_147 = vector.shape_cast %reduce_min3A_146 : vector<1xi32> to vector<1x1x1xi32>
        %reduce_min3A_148 = vector.extract %reduce_min3A_147[0, 0, 0] : i32 from vector<1x1x1xi32>
        %get3A_149 = arith.index_cast %reduce_min3A_148 : i32 to index
        %get3A_150 = arith.constant 0 : index
        %get3A_151 = vector.load %arg6[%get3A_149, %get3A_150] : memref<5120x64xf32, #tpu.memory_space<vmem>>, vector<1x64xf32>
        %eq3A_152 = vector.broadcast %reduce_max3A_140 : f32 to vector<1x64xf32>
        %eq3A_153 = arith.cmpf oeq, %get3A_151, %eq3A_152 : vector<1x64xf32>
        %jit3A = arith.constant 64 : i32
        %broadcast_in_dim3A_154 = vector.broadcast %jit3A : i32 to vector<1x64xi32>
        %select_n3A_155 = arith.select %eq3A_153, %iota3A_100, %broadcast_in_dim3A_154 : vector<1x64xi1>, vector<1x64xi32>
        %reduce_min3A_156 = vector.shape_cast %select_n3A_155 : vector<1x64xi32> to vector<1x1x64xi32>
        %reduce_min3A_157 = arith.constant dense<2147483647> : vector<1xi32>
        %reduce_min3A_158 = vector.multi_reduction <minsi>, %reduce_min3A_156, %reduce_min3A_157 [1, 2] : vector<1x1x64xi32> to vector<1xi32>
        %reduce_min3A_159 = vector.shape_cast %reduce_min3A_158 : vector<1xi32> to vector<1x1x1xi32>
        %reduce_min3A_160 = vector.extract %reduce_min3A_159[0, 0, 0] : i32 from vector<1x1x1xi32>
        %eq3A_161 = vector.broadcast %reduce_max3A_140 : f32 to vector<1x64xf32>
        %eq3A_162 = arith.cmpf oeq, %get3A_151, %eq3A_161 : vector<1x64xf32>
        %eq3A_163 = vector.broadcast %reduce_min3A_160 : i32 to vector<1x64xi32>
        %eq3A_164 = arith.cmpi eq, %iota3A_100, %eq3A_163 : vector<1x64xi32>
        %and3A = arith.andi %eq3A_162, %eq3A_164 : vector<1x64xi1>
        %get3A_165 = arith.index_cast %reduce_min3A_148 : i32 to index
        %get3A_166 = arith.constant 0 : index
        %get3A_167 = vector.load %arg7[%get3A_165, %get3A_166] : memref<5120x64xi32, #tpu.memory_space<vmem>>, vector<1x64xi32>
        %jit3A_168 = arith.constant 0 : i32
        %broadcast_in_dim3A_169 = vector.broadcast %jit3A_168 : i32 to vector<1x64xi32>
        %select_n3A_170 = arith.select %and3A, %get3A_167, %broadcast_in_dim3A_169 : vector<1x64xi1>, vector<1x64xi32>
        %reduce_sum3A = vector.shape_cast %select_n3A_170 : vector<1x64xi32> to vector<1x1x64xi32>
        %reduce_sum3A_171 = arith.constant dense<0> : vector<1xi32>
        %reduce_sum3A_172 = vector.multi_reduction <add>, %reduce_sum3A, %reduce_sum3A_171 [1, 2] : vector<1x1x64xi32> to vector<1xi32>
        %reduce_sum3A_173 = vector.shape_cast %reduce_sum3A_172 : vector<1xi32> to vector<1x1x1xi32>
        %reduce_sum3A_174 = vector.extract %reduce_sum3A_173[0, 0, 0] : i32 from vector<1x1x1xi32>
        %jit3A_175 = arith.constant 0.000000e+00 : f32
        %broadcast_in_dim3A_176 = vector.broadcast %jit3A_175 : f32 to vector<1x64xf32>
        %select_n3A_177 = arith.select %and3A, %broadcast_in_dim3A_176, %get3A_151 : vector<1x64xi1>, vector<1x64xf32>
        %swap3A_178 = arith.index_cast %reduce_min3A_148 : i32 to index
        %swap3A_179 = arith.constant 0 : index
        %swap3A_180 = vector.load %arg6[%swap3A_178, %swap3A_179] : memref<5120x64xf32, #tpu.memory_space<vmem>>, vector<1x64xf32>
        tpu.vector_store %arg6[%swap3A_178, %swap3A_179], %select_n3A_177 {strides = array<i32>} : memref<5120x64xf32, #tpu.memory_space<vmem>>, vector<1x64xf32>,
        %eq3A_181 = vector.broadcast %reduce_min3A_148 : i32 to vector<40x128xi32>
        %eq3A_182 = arith.cmpi eq, %add3A_98, %eq3A_181 : vector<40x128xi32>
        %reduce_max3A_183 = vector.shape_cast %select_n3A_177 : vector<1x64xf32> to vector<1x1x64xf32>
        %reduce_max3A_184 = arith.constant dense<0xFF800000> : vector<1xf32>
        %reduce_max3A_185 = vector.multi_reduction <maximumf>, %reduce_max3A_183, %reduce_max3A_184 [1, 2] : vector<1x1x64xf32> to vector<1xf32>
        %reduce_max3A_186 = vector.shape_cast %reduce_max3A_185 : vector<1xf32> to vector<1x1x1xf32>
        %reduce_max3A_187 = vector.extract %reduce_max3A_186[0, 0, 0] : f32 from vector<1x1x1xf32>
        %broadcast_in_dim3A_188 = vector.broadcast %reduce_max3A_187 : f32 to vector<40x128xf32>
        %select_n3A_189 = arith.select %eq3A_182, %broadcast_in_dim3A_188, %scan3A_132 : vector<40x128xi1>, vector<40x128xf32>
        %eq3A_190 = vector.broadcast %scan3A_131 : i32 to vector<1x128xi32>
        %eq3A_191 = arith.cmpi eq, %iota3A_99, %eq3A_190 : vector<1x128xi32>
        %broadcast_in_dim3A_192 = vector.broadcast %reduce_max3A_140 : f32 to vector<1x128xf32>
        %select_n3A_193 = arith.select %eq3A_191, %broadcast_in_dim3A_192, %scan3A_133 : vector<1x128xi1>, vector<1x128xf32>
        %eq3A_194 = vector.broadcast %scan3A_131 : i32 to vector<1x128xi32>
        %eq3A_195 = arith.cmpi eq, %iota3A_99, %eq3A_194 : vector<1x128xi32>
        %broadcast_in_dim3A_196 = vector.broadcast %reduce_sum3A_174 : i32 to vector<1x128xi32>
        %select_n3A_197 = arith.select %eq3A_195, %broadcast_in_dim3A_196, %scan3A_134 : vector<1x128xi1>, vector<1x128xi32>
        %eq3A_198 = vector.broadcast %scan3A_131 : i32 to vector<1x128xi32>
        %eq3A_199 = arith.cmpi eq, %iota3A_99, %eq3A_198 : vector<1x128xi32>
        %jit3A_200 = arith.constant 64 : i32
        %div3A = arith.divsi %reduce_min3A_148, %jit3A_200 : i32
        %sign3A = arith.constant 0 : i32
        %sign3A_201 = arith.cmpi sgt, %reduce_min3A_148, %sign3A : i32
        %sign3A_202 = arith.extui %sign3A_201 : i1 to i32
        %sign3A_203 = arith.constant 0 : i32
        %sign3A_204 = arith.cmpi slt, %reduce_min3A_148, %sign3A_203 : i32
        %sign3A_205 = arith.extui %sign3A_204 : i1 to i32
        %sign3A_206 = arith.subi %sign3A_202, %sign3A_205 : i32
        %sign3A_207 = arith.constant 0 : i32
        %sign3A_208 = arith.cmpi sgt, %jit3A_200, %sign3A_207 : i32
        %sign3A_209 = arith.extui %sign3A_208 : i1 to i32
        %sign3A_210 = arith.constant 0 : i32
        %sign3A_211 = arith.cmpi slt, %jit3A_200, %sign3A_210 : i32
        %sign3A_212 = arith.extui %sign3A_211 : i1 to i32
        %sign3A_213 = arith.subi %sign3A_209, %sign3A_212 : i32
        %ne3A = arith.cmpi ne, %sign3A_206, %sign3A_213 : i32
        %rem3A = arith.remsi %reduce_min3A_148, %jit3A_200 : i32
        %ne3A_214 = arith.constant 0 : i32
        %ne3A_215 = arith.cmpi ne, %rem3A, %ne3A_214 : i32
        %and3A_216 = arith.andi %ne3A, %ne3A_215 : i1
        %sub3A = arith.constant 1 : i32
        %sub3A_217 = arith.subi %div3A, %sub3A : i32
        %select_n3A_218 = arith.select %and3A_216, %sub3A_217, %div3A : i32
        %broadcast_in_dim3A_219 = vector.broadcast %select_n3A_218 : i32 to vector<1x128xi32>
        %select_n3A_220 = arith.select %eq3A_199, %broadcast_in_dim3A_219, %scan3A_135 : vector<1x128xi1>, vector<1x128xi32>
        scf.yield %select_n3A_189, %select_n3A_193, %select_n3A_197, %select_n3A_220 : vector<40x128xf32>, vector<1x128xf32>, vector<1x128xi32>, vector<1x128xi32>
      }
      %scan3A_112 = arith.constant 100 : i32
      %swap3A_113 = arith.constant 0 : index
      %swap3A_114 = arith.constant 0 : index
      %swap3A_115 = arith.constant 0 : index
      %swap3A_116 = vector.load %arg3[%swap3A_113, %swap3A_114, %swap3A_115] : memref<1x1x128xf32, #tpu.memory_space<vmem>>, vector<1x1x128xf32>
      %swap3A_117 = vector.shape_cast %swap3A_116 : vector<1x1x128xf32> to vector<1x128xf32>
      %swap3A_118 = vector.shape_cast %scan3A_111#1 : vector<1x128xf32> to vector<1x1x128xf32>
      tpu.vector_store %arg3[%swap3A_113, %swap3A_114, %swap3A_115], %swap3A_118 {strides = array<i32>} : memref<1x1x128xf32, #tpu.memory_space<vmem>>, vector<1x1x128xf32>,
      %swap3A_119 = arith.constant 0 : index
      %swap3A_120 = arith.constant 0 : index
      %swap3A_121 = arith.constant 0 : index
      %swap3A_122 = vector.load %arg4[%swap3A_119, %swap3A_120, %swap3A_121] : memref<1x1x128xi32, #tpu.memory_space<vmem>>, vector<1x1x128xi32>
      %swap3A_123 = vector.shape_cast %swap3A_122 : vector<1x1x128xi32> to vector<1x128xi32>
      %swap3A_124 = vector.shape_cast %scan3A_111#2 : vector<1x128xi32> to vector<1x1x128xi32>
      tpu.vector_store %arg4[%swap3A_119, %swap3A_120, %swap3A_121], %swap3A_124 {strides = array<i32>} : memref<1x1x128xi32, #tpu.memory_space<vmem>>, vector<1x1x128xi32>,
      %swap3A_125 = arith.constant 0 : index
      %swap3A_126 = arith.constant 0 : index
      %swap3A_127 = arith.constant 0 : index
      %swap3A_128 = vector.load %arg5[%swap3A_125, %swap3A_126, %swap3A_127] : memref<1x1x128xi32, #tpu.memory_space<vmem>>, vector<1x1x128xi32>
      %swap3A_129 = vector.shape_cast %swap3A_128 : vector<1x1x128xi32> to vector<1x128xi32>
      %swap3A_130 = vector.shape_cast %scan3A_111#3 : vector<1x128xi32> to vector<1x1x128xi32>
      tpu.vector_store %arg5[%swap3A_125, %swap3A_126, %swap3A_127], %swap3A_130 {strides = array<i32>} : memref<1x1x128xi32, #tpu.memory_space<vmem>>, vector<1x1x128xi32>,
    } else {
    }
    return
  }
  func.func @transform_0(%arg0: i32, %arg1: i32) -> (i32, i32, i32, i32, i32) {
    %c0_i32 = arith.constant 0 : i32
    %c0_i32_0 = arith.constant 0 : i32
    %c0_i32_1 = arith.constant 0 : i32
    %c0_i32_2 = arith.constant 0 : i32
    return %arg0, %arg1, %c0_i32, %c0_i32_0, %c0_i32_1 : i32, i32, i32, i32, i32
  }
  func.func @transform_1(%arg0: i32, %arg1: i32) -> (i32, i32, i32) {
    %c0_i32 = arith.constant 0 : i32
    %c0_i32_0 = arith.constant 0 : i32
    %c0_i32_1 = arith.constant 0 : i32
    return %arg0, %c0_i32, %c0_i32_0 : i32, i32, i32
  }
  func.func @transform_2(%arg0: i32, %arg1: i32) -> (i32, i32, i32) {
    %c0_i32 = arith.constant 0 : i32
    %c0_i32_0 = arith.constant 0 : i32
    %c0_i32_1 = arith.constant 0 : i32
    return %arg0, %c0_i32, %c0_i32_0 : i32, i32, i32
  }
  func.func @transform_3(%arg0: i32, %arg1: i32) -> (i32, i32, i32) {
    %c0_i32 = arith.constant 0 : i32
    %c0_i32_0 = arith.constant 0 : i32
    %c0_i32_1 = arith.constant 0 : i32
    return %arg0, %c0_i32, %c0_i32_0 : i32, i32, i32
  }
}

</mosaic_0001>

<sc_bundles>
// kernel: gather_offload_async_start.1
scs
__scs_entry_jumppad:
0x0: {  	(pc) =	sbr.rel $0x88, $3  }
0x1: {  	(tag) =	ssettag $0x0;
	lr =	simm.s32 $0x1  }
0x2: {  	[smem:$0x3F9E] =	sst lr;
	_ =	strace $0xD0000000  }
0x3: {  	_ = 	snop  }
0x4: {  	_ = 	snop  }
0x5: {  	_ = 	snop  }
0x6: {  	_ = 	snop  }
0x7: {  	_ = 	snop  }
__scs_overlays_trampoline_lowered:
0x8: {  	[smem:$0x3FAD] =	sst s0  }
0x9: {  	[smem:$0x3FAE] =	sst s1  }
0xa: {  	[smem:$0x3FAF] =	sst s2  }
0xb: {  	[smem:$0x3FB0] =	sst s3  }
0xc: {  	[smem:$0x3FB1] =	sst s4  }
0xd: {  	[smem:$0x3FB2] =	sst s5  }
0xe: {  	[smem:$0x3FB3] =	sst s6  }
0xf: {  	[smem:$0x3FB4] =	sst s7  }
0x10: {  	[smem:$0x3FB5] =	sst s8  }
0x11: {  	[smem:$0x3FB6] =	sst s9;
	s0 =	simm.s32 @!p0 $0x0  }
0x12: {  	s1 =	sld [smem:$0x3F9C];
	s0 =	simm.s32 @p0 $0x1  }
0x13: {  	[smem:$0x3FB7] =	sst s0;
	s0 =	simm.s32 @!p1 $0x0  }
0x14: {  	s2 =	sld [smem:$0x3F9B];
	s0 =	simm.s32 @p1 $0x1  }
0x15: {  	[smem:$0x3FB8] =	sst s0;
	s0 =	simm.s32 @!p2 $0x0  }
0x16: {  	s3 =	sld [smem:$0x3FDB];
	s0 =	simm.s32 @p2 $0x1  }
0x17: {  	s4 =	simm.s32 $0x1BF5;
	[smem:$0x3FBA] =	sst s0  }
0x18: {  	s0 =	sld [smem:$0x3F9D];
	_ =	swait.ge [sflag:s4], $0x0  }
0x19: {  	s7 =	sld [smem:$0x3F9E]  }
0x1a: {  	s8 =	sadd.s32 $0xFFFFE003, lr  }
0x1b: {  	s9 =	sadd.s32 $0xFFFFFEF7, lr;
	s5 =	simm.s32 $0xFFFFFFFF;
	p2 =	slt.u32 s8, $0xFFFFF086  }
0x1c: {  	p1 =	slt.u32 s9, $0xF7A;
	s5 =	simm.s32 @!p2 $0x0  }
0x1d: {  	s5 =	simm.s32 @p1 $0x1;
	p0 =	seq.s32 s7, s2  }
0x1e: {  	s7 =	smul.u32 @!p0 $0xF7A, s2;
	p2 =	seq.s32 @!p0 s5, $0x0  }
0x1f: {  	s9 =	smul.u32 $0xF7A, s1;
	s8 =	simm.s32 @!p0 $0x1BF5;
	p2 =	por !p2, p0  }
0x20: {  	[sflag:s8] =	ssyncset.s32 @!p0 $0xFFFFF086;
	s6 =	sadd.s32 @!p0 s3, s7;
	s7 =	simm.s32 @!p0 $0x108  }
0x21: {  	s3 =	sadd.s32 s3, s9;
	s6 =	sadd.s32 @!p0 $0x88, s6;
	s7 =	simm.s32 @p2 $0x1082  }
0x22: {  	[simem:s7], [sflag:s8] =	dma.local @!p0 [hbm:s6], $0xF7A  }
0x23: {  	s9 =	sor.u32 $0xD0000000, s2;
	s6 =	simm.s32 $0x108;
	_ =	swait.ge @!p0 [sflag:s8], $0x0  }
0x24: {  	s3 =	sadd.s32 $0x88, s3;
	s6 =	simm.s32 @!p1 $0x1082;
	[sflag:s4] =	ssyncset.s32 $0xFFFFF086  }
0x25: {  	[simem:s6], [sflag:s4] =	dma.local [hbm:s3], $0xF7A  }
0x26: {  	[smem:$0x3F9E] =	sst s1;
	(tag) =	ssettag s2;
	_ =	strace s9  }
0x27: {  	s1 =	sld [smem:$0x3FAE]  }
0x28: {  	s2 =	sld [smem:$0x3FAF]  }
0x29: {  	s4 =	sld [smem:$0x3FB1]  }
0x2a: {  	p0 =	seq.s32 s5, $0x0;
	s5 =	sld [smem:$0x3FB2]  }
0x2b: {  	s6 =	sld [smem:$0x3FB3]  }
0x2c: {  	s7 =	sld [smem:$0x3FB4]  }
0x2d: {  	s3 =	simm.s32 $0x108;
	s8 =	sld [smem:$0x3FB5]  }
0x2e: {  	s3 =	simm.s32 @!p0 $0x1082;
	s9 =	sld [smem:$0x3FB6]  }
0x2f: {  	lr =	sadd.s32 s0, s3;
	s0 =	sld [smem:$0x3FAD]  }
0x30: {  	s3 =	sld [smem:$0x3FB0]  }
0x31: {  	[smem:$0x3FB9] =	sst s10  }
0x32: {  	s10 =	sld [smem:$0x3FB7];
	_ =	sdelay $0x3  }
0x33: {  	p0 =	seq.s32 s10, $0x1;
	s10 =	sld [smem:$0x3FB9];
	_ =	sdelay $0x3  }
0x34: {  	[smem:$0x3FB9] =	sst s10  }
0x35: {  	s10 =	sld [smem:$0x3FB8];
	_ =	sdelay $0x3  }
0x36: {  	p1 =	seq.s32 s10, $0x1;
	s10 =	sld [smem:$0x3FB9];
	_ =	sdelay $0x3  }
0x37: {  	[smem:$0x3FB9] =	sst s10  }
0x38: {  	s10 =	sld [smem:$0x3FBA]  }
0x39: {  	_ = 	snop;
	(pc) =	sbr.ind lr, $3  }
0x3a: {  	_ = 	snop  }
0x3b: {  	_ = 	snop  }
0x3c: {  	p2 =	seq.s32 s10, $0x1;
	s10 =	sld [smem:$0x3FB9]  }
0x3d: {  	_ =	shalt  }
0x3e: {  	_ =	shalt  }
0x3f: {  	_ =	shalt  }
0x40: {  	_ =	shalt  }
0x41: {  	_ =	shalt  }
0x42: {  	_ =	shalt  }
0x43: {  	_ =	shalt  }
0x44: {  	_ =	shalt  }
0x45: {  	_ =	shalt  }
0x46: {  	_ =	shalt  }
0x47: {  	_ =	shalt  }
0x48: {  	_ =	shalt  }
0x49: {  	_ =	shalt  }
0x4a: {  	_ =	shalt  }
0x4b: {  	_ =	shalt  }
0x4c: {  	_ =	shalt  }
0x4d: {  	_ =	shalt  }
0x4e: {  	_ =	shalt  }
0x4f: {  	_ =	shalt  }
0x50: {  	_ =	shalt  }
0x51: {  	_ =	shalt  }
0x52: {  	_ =	shalt  }
0x53: {  	_ =	shalt  }
0x54: {  	_ =	shalt  }
0x55: {  	_ =	shalt  }
0x56: {  	_ =	shalt  }
0x57: {  	_ =	shalt  }
0x58: {  	_ =	shalt  }
0x59: {  	_ =	shalt  }
0x5a: {  	_ =	shalt  }
0x5b: {  	_ =	shalt  }
0x5c: {  	_ =	shalt  }
0x5d: {  	_ =	shalt  }
0x5e: {  	_ =	shalt  }
0x5f: {  	_ =	shalt  }
0x60: {  	_ =	shalt  }
0x61: {  	_ =	shalt  }
0x62: {  	_ =	shalt  }
0x63: {  	_ =	shalt  }
0x64: {  	_ =	shalt  }
0x65: {  	_ =	shalt  }
0x66: {  	_ =	shalt  }
0x67: {  	_ =	shalt  }
0x68: {  	_ =	shalt  }
0x69: {  	_ =	shalt  }
0x6a: {  	_ =	shalt  }
0x6b: {  	_ =	shalt  }
0x6c: {  	_ =	shalt  }
0x6d: {  	_ =	shalt  }
0x6e: {  	_ =	shalt  }
0x6f: {  	_ =	shalt  }
0x70: {  	_ =	shalt  }
0x71: {  	_ =	shalt  }
0x72: {  	_ =	shalt  }
0x73: {  	_ =	shalt  }
0x74: {  	_ =	shalt  }
0x75: {  	_ =	shalt  }
0x76: {  	_ =	shalt  }
0x77: {  	_ =	shalt  }
0x78: {  	_ =	shalt  }
0x79: {  	_ =	shalt  }
0x7a: {  	_ =	shalt  }
0x7b: {  	_ =	shalt  }
0x7c: {  	_ =	shalt  }
0x7d: {  	_ =	shalt  }
0x7e: {  	_ =	shalt  }
0x7f: {  	_ =	shalt  }
0x80: {  	_ =	shalt  }
0x81: {  	_ =	shalt  }
0x82: {  	_ =	shalt  }
0x83: {  	_ =	shalt  }
0x84: {  	_ =	shalt  }
0x85: {  	_ =	shalt  }
0x86: {  	_ =	shalt  }
0x87: {  	_ =	shalt  }
.Lfunc_end0:
.L_simem_size_0:
called_computation.1_lowered:
.L_overlay_start_0:
0x88: {  	s2 =	sld [smem:$0x3FD9]  }
0x89: {  	s3 =	sld [smem:$0x3FFE];
	_ =	sdelay $0x1  }
0x8a: {  	s1 =	srdreg.scid  }
0x8b: {  	s0 =	sand.u32 $0x1, s1  }
0x8c: {  	s17 =	sshll.u32 s0, $0xA;
	s2 =	sadd.s32 s3, s2  }
0x8d: {  	s2 =	sadd.s32 s2, s17  }
0x8e: {  	[smem:$0x3FC5] =	sst s2  }
0x8f: {  	_ = 	snop  }
0x90: {  	s2 =	sld [smem:$0x3FD0];
	(tm) =	ssettm $0x1  }
0x91: {  	s18 =	sld [smem:$0x3FFB];
	_ =	sdelay $0x3  }
0x92: {  	_ =	strace s18  }
0x93: {  	s3 =	sld [smem:$0x3FFC];
	_ =	sdelay $0x3  }
0x94: {  	_ =	strace s3  }
0x95: {  	s3 =	sld [smem:$0x3FFD];
	_ =	sdelay $0x3  }
0x96: {  	_ =	strace s3  }
0x97: {  	_ =	strace $0x8FFFFFFF  }
0x98: {  	s19 =	sld [smem:$0x3FDB];
	_ =	sdelay $0x1  }
0x99: {  	s4 =	simm.s32 $_scs_section_size  }
0x9a: {  	s5 =	simm.s32 $_size__tile_overlayer_lowered;
	s6 =	simm.s32 $_tile_overlayer_lowered  }
0x9b: {  	s22 =	simm.s32 $0x1BFF;
	s21 =	sshll.u32 s6, $0x1;
	s3 =	sadd.s32 s4, s19  }
0x9c: {  	s7 =	simm.s32 $0x0;
	s20 =	sshll.u32 s5, $0x1;
	s5 =	sadd.s32 s21, s3  }
0x9d: {  	[timem:s7], [sflag:s22] =	dma.local [hbm:s5], s20  }
0x9e: {  	_ =	swait.ge [sflag:s22], s20  }
0x9f: {  	s4 =	ssub.s32 $0x0, s20;
	[sflag:s22] =	ssyncset.done $0x0  }
0xa0: {  	[sflag:s22] =	ssyncadd.s32 s4;
	_ =	sdelay $0x1  }
0xa1: {  	s23 =	simm.s32 $0x1B8B  }
0xa2: {  	_ =	swait.ge [sflag:s23], $0x1  }
0xa3: {  	[sflag:s23] =	ssyncset.done $0x0  }
0xa4: {  	s25 =	simm.s32 $0x1B8E;
	s24 =	sld [smem:$0x3FFE];
	[sflag:s23] =	ssyncadd.s32 $0xFFFFFFFF  }
0xa5: {  	s26 =	simm.s32 $execute0_lowered;
	[smem:$0x3FD2] =	sst s25  }
0xa6: {  	s5 =	sshll.u32 s26, $0x1;
	_ =	strace $0x80000046;
	[dreg:$0x1] =	wrdreg $0xFFFFFFFF  }
0xa7: {  	s28 =	simm.s32 $_size_execute0_lowered;
	s3 =	sadd.s32 s3, s5;
	[dreg:$0x0] =	wrdreg $0x0  }
0xa8: {  	s5 =	sshll.u32 s28, $0x1;
	[dreg:$0x2] =	wrdreg s3  }
0xa9: {  	[dreg:$0x3] =	wrdreg s5  }
0xaa: {  	[dreg:$0x4] =	wrdreg $0xC0  }
0xab: {  	_ =	task [dreg:s7], $0x5FFFF  }
0xac: {  	[dreg:$0x1] =	wrdreg $0xFFFFFFFF  }
0xad: {  	[dreg:$0x0] =	wrdreg $0x60  }
0xae: {  	[dreg:$0x2] =	wrdreg s24  }
0xaf: {  	[dreg:$0x3] =	wrdreg s2  }
0xb0: {  	[dreg:$0x4] =	wrdreg $0xA  }
0xb1: {  	_ =	task.clear_ibuf [dreg:s7], $0x5FFFF;
	_ =	strace $0x90000046  }
0xb2: {  	s29 =	simm.s32 $0xA;
	_ =	strace $0x80000048  }
0xb3: {  	_ =	swait.ge [sflag:s29], $0x1  }
0xb4: {  	[sflag:s29] =	ssyncadd.s32 $0xFFFFFFFF  }
0xb5: {  	_ =	strace $0x90000048  }
0xb6: {  	_ =	sfence  }
0xb7: {  	s30 =	sld [smem:$0x0];
	_ =	sdelay $0x2  }
0xb8: {  	s31 =	sshll.u32 s1, $0xD;
	s1 =	sshrl.u32 s1, $0x2  }
0xb9: {  	s3 =	sand.u32 $0x4000, s31;
	s1 =	sadd.s32 s1, s30  }
0xba: {  	s0 =	sor.u32 s3, s0;
	s1 =	sshll.u32 s1, $0x11  }
0xbb: {  	s0 =	sor.u32 s1, s0  }
0xbc: {  	s0 =	sadd.s32 $0x8F2B, s0  }
0xbd: {  	[sflag:s0] =	ssyncadd.remote.s32 $0x1  }
0xbe: {  	_ =	sfence.sel $0xFFFF  }
0xbf: {  	[dreg:$0x0] =	wrdreg $0xFFFFFFFF;
	(pc) =	sbr.abs _section_cstart, $3  }
0xc0: {  	[dreg:$0x1] =	wrdreg $0xFFFFFFFF  }
0xc1: {  	_ =	task.clear_ibuf [dreg:s7], $0x2FFFF;
	_ =	strace $0x9FFFFFFF  }
0xc2: {  	(tm) =	ssettm $0x7FFFFFFF  }
0xc3: {  	_ =	shalt  }
tec
execute0_lowered:
.L_overlay_start_1:
0x0: {  	(tag) =	ssettag $0x1  }
0x1: {  	s0 =	srdreg.scid  }
0x2: {  	s1 =	sshll.u32 s0, $0x4  }
0x3: {  	s0 =	stileid.u32;
	s1 =	sand.u32 $0x10, s1  }
0x4: {  	s9 =	rddreg [dreg:$0x0];
	s1 =	sor.u32 s0, s1  }
0x5: {  	s3 =	rddreg [dreg:$0x1];
	s2 =	smin.u32 s1, $0x12  }
0x6: {  	p0 =	slt.u32 s1, $0x12;
	s2 =	sadd.s32 s1, s2;
	s1 =	simm.s32 $0x40  }
0x7: {  	s6 =	simm.s32 $0x1;
	s2 =	sshll.u32 s2, $0x5;
	s1 =	simm.s32 @!p0 $0x20  }
0x8: {  	s7 =	simm.s32 $0x2;
	s10 =	simm.s32 $0x3;
	s4 =	sadd.s32 s1, s2  }
0x9: {  	s13 =	simm.s32 $0x0;
	s12 =	simm.s32 $0x0;
	s4 =	smin.u32 s4, $0x640  }
.Ltmp0:
0xa: {  	s5 =	sadd.s32 $0x1400, s9;
	s8 =	ssub.s32 s4, s2;
	(pc) =	sbr.rel .LBB2_1-.Ltmp0, $4  }
0xb: {  	s1 =	rddreg [dreg:$0x2];
	_ =	strace $0x80000047;
	p0 =	sgt.s32 s8, $0x0  }
0xc: {  	s9 =	sadd.s32 $0x401400, s9;
	[sflag:s6] =	ssyncpa.u1 $0x0;
	s8 =	simm.s32 @!p0 $0x0  }
0xd: {  	s11 =	smov.u32 s2;
	[sflag:s7] =	ssyncpa.u1 $0x0;
	s8 =	sshrl.u32 s8, $0x5  }
0xe: {  	vm0 =	vmmov $0xff;
	vm1 =	vcmask $0x3F20;
	[sflag:s10] =	ssyncpa.u1 $0x0;
	p0 =	por $0x0, $0x0;
	s10 =	sadd.s32 $0x1, s8  }
.LBB2_6:
0xf: {  	[hbm:s17] =	stream.linear.scatter [tilespmem:s14], [sflag:$0x3], $0x400, $0x38;
	[tilespmem:$0x2040] =	vst v63  }
.LBB2_7:
0x10: {  	s13 =	sadd.s32 $0x20, s11  }
0x11: {  	s15 =	smov.u32 s2;
	p2 =	slt.s32 s13, s4  }
0x12: {  	s15 =	smov.u32 @p2 s13;
	p2 =	sne.s32 s12, s10  }
.Ltmp1:
0x13: {  	p1 =	slt.u32 s12, $0x2;
	(pc) =	sbr.rel @!p2 .LBB2_8-.Ltmp1, $4  }
0x14: {  	s14 =	simm.s32 @!p1 $0x3  }
0x15: {  	s16 =	sadd.s32 $0x1, s12;
	_ =	swait.ge @!p1 [sflag:s14], $0x1000  }
0x16: {  	p0 =	por !p0, !p0;
	s13 =	smov.u32 s11;
	[sflag:s14] =	ssyncset.done @!p1 $0x0  }
0x17: {  	s12 =	smov.u32 s16;
	s11 =	smov.u32 s15;
	[sflag:s14] =	ssyncadd.s32 @!p1 $0xFFFFF000  }
.LBB2_1:
0x18: {  	p1 =	sge.u32 s12, s8  }
0x19: {  	s14 =	sxor.u32 @!p1 $0xFFFFFFFF, s12  }
0x1a: {  	s31 =	sadd.s32 $0xFFFFFFFF, s12;
	s15 =	sshrl.u32 @!p1 s11, $0x3;
	s14 =	sshll.u32 @!p1 s14, $0x5  }
0x1b: {  	s16 =	sand.u32 @!p1 $0x7, s11;
	s15 =	sadd.s32 @!p1 s3, s15;
	s14 =	sand.u32 @!p1 $0x20, s14  }
0x1c: {  	[tilespmem:s14], [sflag:$0x2] =	stream.linear.gather @!p1 [hbm4b:s15+s16], $0x20, $0x38;
	[tilespmem:$0x2040] =	vst v63  }
0x1d: {  	p1 =	sge.u32 s31, s8  }
.Ltmp2:
0x1e: {  	_ = 	snop;
	(pc) =	sbr.rel @p1 .LBB2_7-.Ltmp2, $1  }
0x1f: {  	_ =	sdelay $0x3  }
0x20: {  	s14 =	simm.s32 $0x1  }
0x21: {  	_ =	swait.ge [sflag:s7], $0x20;
	s16 =	sand.u32 $0x1, s12;
	s17 =	simm.s32 $0x0  }
0x22: {  	p1 =	por $0x1, $0x1;
	s14 =	simm.s32 @!p0 $0x0;
	[sflag:s7] =	ssyncset.done $0x0  }
0x23: {  	s15 =	sshll.u32 s16, $0x5;
	s16 =	sshll.u32 s16, $0xC;
	s14 =	sshll.u32 s14, $0xC  }
0x24: {  	[sflag:s7] =	ssyncadd.s32 $0xFFFFFFE0;
	s16 =	sor.u32 $0x40, s16;
	s14 =	sor.u32 $0x40, s14  }
.LBB2_3:
0x25: {  	s18 =	sshll.u32 s17, $0x4  }
0x26: {  	s18 =	sand.u32 $0x3FFFFFF0, s18  }
0x27: {  	s18 =	sadd.s32 s18, s15  }
0x28: {  	v0 =	vld.msk [tilespmem:s18+$0x0 ss:$0x1], $0xffff;
	_ =	sdelay $0x4  }
0x29: {  	v1 =	vshll.u32 v0, $0x3  }
0x2a: {  	vm2 =	veq.s32 v0, $0x80000000;
	v0 =	vshll.u32 v0, $0x15;
	v1 =	vand.u32 $0x1FFF80, v1  }
0x2b: {  	v0 =	vand.u32 $0x1E00000, v0;
	v1 =	vsel vm2, $0xFFFFFF80, v1  }
0x2c: {  	v0 =	vsel vm2, $0xFFE00000, v0;
	v2 =	vand.u32 $0xFFFFFC00, v1  }
0x2d: {  	v1 =	vand.u32 $0x380, v1;
	v0 =	vadd.s32 v0, v2  }
0x2e: {  	v0 =	vor.u32 v1, v0  }
0x2f: {  	v0 =	vshrl.u32 v0, $0x3;
	_ =	sdelay $0x1  }
0x30: {  	s31 =	sshll.u32 s17, $0xB  }
0x31: {  	p2 =	por p1, p1;
	s17 =	sand.u32 $0x3FFFF800, s31  }
.Ltmp3:
0x32: {  	s17 =	sadd.s32 s17, s16;
	(pc) =	sbr.rel @p2 .LBB2_3-.Ltmp3, $4  }
0x33: {  	[tilespmem:s17], [sflag:$0x1] =	stream.indirect_vreg.gather [hbm:s5], $0x80, v0, vm0, $0x38;
	[tilespmem:$0x2040] =	vst v63  }
0x34: {  	s17 =	sadd.s32 $0x400, s17  }
0x35: {  	[tilespmem:s17], [sflag:$0x1] =	stream.indirect_vreg.gather [hbm:s5], $0x80, v0, vm1, $0x38;
	[tilespmem:$0x2040] =	vst v63  }
0x36: {  	p1 =	por $0x0, $0x0;
	s17 =	simm.s32 $0x1  }
0x37: {  	_ =	swait.ge [sflag:s6], $0x1000;
	s13 =	sshll.u32 s13, $0x4  }
0x38: {  	s15 =	simm.s32 $0x80;
	[sflag:s6] =	ssyncset.done $0x0;
	s13 =	sadd.s32 s13, s9  }
0x39: {  	s16 =	sadd.s32 $0x400, s14;
	[sflag:s6] =	ssyncadd.s32 $0xFFFFF000;
	s17 =	sadd.s32 $0x0, s13  }
.LBB2_5:
0x3a: {  	[hbm:s17] =	stream.linear.scatter [tilespmem:s14], [sflag:$0x3], $0x400, $0x38;
	[tilespmem:$0x2040] =	vst v63  }
0x3b: {  	s17 =	smov.u32 s15;
	s14 =	smov.u32 s16;
	p1 =	sne.s32 s15, $0x180  }
.Ltmp4:
0x3c: {  	s15 =	sadd.s32 $0x80, s15;
	(pc) =	sbr.rel @p1 .LBB2_5-.Ltmp4, $2  }
0x3d: {  	_ =	sdelay $0x2  }
0x3e: {  	s16 =	sadd.s32 $0x400, s16;
	s17 =	sadd.s32 s17, s13  }
.Ltmp5:
0x3f: {  	_ = 	snop;
	(pc) =	sbr.rel .LBB2_6-.Ltmp5, $1  }
0x40: {  	_ =	sdelay $0x3  }
.LBB2_8:
0x41: {  	_ =	sfence.sel $0x180000  }
0x42: {  	s2 =	simm.s32 $0x2;
	[bflag:$0x0] =	sbarrier.arrive $0xFFFF  }
0x43: {  	s30 =	simm.s32 $0x3;
	[sflag:s2] =	ssyncpa.u1 $0x1  }
0x44: {  	s31 =	simm.s32 $0x1;
	[sflag:s30] =	ssyncpa.u1 $0x1  }
0x45: {  	[sflag:s31] =	ssyncpa.u1 $0x1  }
0x46: {  	p0 =	sne.s32 s0, $0x0;
	_ =	strace $0x90000047  }
0x47: {  	s0 =	sadd.s32 @!p0 $0x100000, s1;
	[bflag:$0x2] =	sbarrier.arrive $0xFFFF  }
0x48: {  	[sflag:s0] =	ssyncadd.tile.s32 @!p0 $0x1;
	_ =	shalt  }
.Lfunc_end2:
_tile_overlayer_lowered:
.L_overlay_start_2:
0x49: {  	(tag) =	ssettag $0x2  }
0x4a: {  	s0 =	rddreg [dreg:$0x0];
	s2 =	stileid.u32  }
0x4b: {  	s1 =	rddreg [dreg:$0x1];
	p0 =	sne.s32 s2, $0x0  }
0x4c: {  	s3 =	rddreg [dreg:$0x2];
	[bflag:$0x3] =	sbarrier.arrive $0xFFFF;
	s2 =	simm.s32 @!p0 $0x1C01  }
0x4d: {  	[timem:s3], [sflag:s2] =	dma.local @!p0 [hbm:s0], s1  }
0x4e: {  	s0 =	simm.s32 @!p0 $0x1  }
0x4f: {  	_ =	swait.ge @!p0 [sflag:s0], s1  }
0x50: {  	s1 =	ssub.s32 @!p0 $0x0, s1;
	[sflag:s0] =	ssyncset.done @!p0 $0x0  }
0x51: {  	[sflag:s0] =	ssyncadd.s32 @!p0 s1  }
0x52: {  	[bflag:$0x3] =	sbarrier.arrive $0xFFFF  }
0x53: {  	_ =	shalt  }

// kernel: gather_offload_async_start
scs
__scs_entry_jumppad:
0x0: {  	(pc) =	sbr.rel $0x88, $3  }
0x1: {  	(tag) =	ssettag $0x0;
	lr =	simm.s32 $0x1  }
0x2: {  	[smem:$0x3F9E] =	sst lr;
	_ =	strace $0xD0000000  }
0x3: {  	_ = 	snop  }
0x4: {  	_ = 	snop  }
0x5: {  	_ = 	snop  }
0x6: {  	_ = 	snop  }
0x7: {  	_ = 	snop  }
__scs_overlays_trampoline_lowered:
0x8: {  	[smem:$0x3FAD] =	sst s0  }
0x9: {  	[smem:$0x3FAE] =	sst s1  }
0xa: {  	[smem:$0x3FAF] =	sst s2  }
0xb: {  	[smem:$0x3FB0] =	sst s3  }
0xc: {  	[smem:$0x3FB1] =	sst s4  }
0xd: {  	[smem:$0x3FB2] =	sst s5  }
0xe: {  	[smem:$0x3FB3] =	sst s6  }
0xf: {  	[smem:$0x3FB4] =	sst s7  }
0x10: {  	[smem:$0x3FB5] =	sst s8  }
0x11: {  	[smem:$0x3FB6] =	sst s9;
	s0 =	simm.s32 @!p0 $0x0  }
0x12: {  	s1 =	sld [smem:$0x3F9C];
	s0 =	simm.s32 @p0 $0x1  }
0x13: {  	[smem:$0x3FB7] =	sst s0;
	s0 =	simm.s32 @!p1 $0x0  }
0x14: {  	s2 =	sld [smem:$0x3F9B];
	s0 =	simm.s32 @p1 $0x1  }
0x15: {  	[smem:$0x3FB8] =	sst s0;
	s0 =	simm.s32 @!p2 $0x0  }
0x16: {  	s3 =	sld [smem:$0x3FDB];
	s0 =	simm.s32 @p2 $0x1  }
0x17: {  	s4 =	simm.s32 $0x1BF5;
	[smem:$0x3FBA] =	sst s0  }
0x18: {  	s0 =	sld [smem:$0x3F9D];
	_ =	swait.ge [sflag:s4], $0x0  }
0x19: {  	s7 =	sld [smem:$0x3F9E]  }
0x1a: {  	s8 =	sadd.s32 $0xFFFFE003, lr  }
0x1b: {  	s9 =	sadd.s32 $0xFFFFFEF7, lr;
	s5 =	simm.s32 $0xFFFFFFFF;
	p2 =	slt.u32 s8, $0xFFFFF086  }
0x1c: {  	p1 =	slt.u32 s9, $0xF7A;
	s5 =	simm.s32 @!p2 $0x0  }
0x1d: {  	s5 =	simm.s32 @p1 $0x1;
	p0 =	seq.s32 s7, s2  }
0x1e: {  	s7 =	smul.u32 @!p0 $0xF7A, s2;
	p2 =	seq.s32 @!p0 s5, $0x0  }
0x1f: {  	s9 =	smul.u32 $0xF7A, s1;
	s8 =	simm.s32 @!p0 $0x1BF5;
	p2 =	por !p2, p0  }
0x20: {  	[sflag:s8] =	ssyncset.s32 @!p0 $0xFFFFF086;
	s6 =	sadd.s32 @!p0 s3, s7;
	s7 =	simm.s32 @!p0 $0x108  }
0x21: {  	s3 =	sadd.s32 s3, s9;
	s6 =	sadd.s32 @!p0 $0x88, s6;
	s7 =	simm.s32 @p2 $0x1082  }
0x22: {  	[simem:s7], [sflag:s8] =	dma.local @!p0 [hbm:s6], $0xF7A  }
0x23: {  	s9 =	sor.u32 $0xD0000000, s2;
	s6 =	simm.s32 $0x108;
	_ =	swait.ge @!p0 [sflag:s8], $0x0  }
0x24: {  	s3 =	sadd.s32 $0x88, s3;
	s6 =	simm.s32 @!p1 $0x1082;
	[sflag:s4] =	ssyncset.s32 $0xFFFFF086  }
0x25: {  	[simem:s6], [sflag:s4] =	dma.local [hbm:s3], $0xF7A  }
0x26: {  	[smem:$0x3F9E] =	sst s1;
	(tag) =	ssettag s2;
	_ =	strace s9  }
0x27: {  	s1 =	sld [smem:$0x3FAE]  }
0x28: {  	s2 =	sld [smem:$0x3FAF]  }
0x29: {  	s4 =	sld [smem:$0x3FB1]  }
0x2a: {  	p0 =	seq.s32 s5, $0x0;
	s5 =	sld [smem:$0x3FB2]  }
0x2b: {  	s6 =	sld [smem:$0x3FB3]  }
0x2c: {  	s7 =	sld [smem:$0x3FB4]  }
0x2d: {  	s3 =	simm.s32 $0x108;
	s8 =	sld [smem:$0x3FB5]  }
0x2e: {  	s3 =	simm.s32 @!p0 $0x1082;
	s9 =	sld [smem:$0x3FB6]  }
0x2f: {  	lr =	sadd.s32 s0, s3;
	s0 =	sld [smem:$0x3FAD]  }
0x30: {  	s3 =	sld [smem:$0x3FB0]  }
0x31: {  	[smem:$0x3FB9] =	sst s10  }
0x32: {  	s10 =	sld [smem:$0x3FB7];
	_ =	sdelay $0x3  }
0x33: {  	p0 =	seq.s32 s10, $0x1;
	s10 =	sld [smem:$0x3FB9];
	_ =	sdelay $0x3  }
0x34: {  	[smem:$0x3FB9] =	sst s10  }
0x35: {  	s10 =	sld [smem:$0x3FB8];
	_ =	sdelay $0x3  }
0x36: {  	p1 =	seq.s32 s10, $0x1;
	s10 =	sld [smem:$0x3FB9];
	_ =	sdelay $0x3  }
0x37: {  	[smem:$0x3FB9] =	sst s10  }
0x38: {  	s10 =	sld [smem:$0x3FBA]  }
0x39: {  	_ = 	snop;
	(pc) =	sbr.ind lr, $3  }
0x3a: {  	_ = 	snop  }
0x3b: {  	_ = 	snop  }
0x3c: {  	p2 =	seq.s32 s10, $0x1;
	s10 =	sld [smem:$0x3FB9]  }
0x3d: {  	_ =	shalt  }
0x3e: {  	_ =	shalt  }
0x3f: {  	_ =	shalt  }
0x40: {  	_ =	shalt  }
0x41: {  	_ =	shalt  }
0x42: {  	_ =	shalt  }
0x43: {  	_ =	shalt  }
0x44: {  	_ =	shalt  }
0x45: {  	_ =	shalt  }
0x46: {  	_ =	shalt  }
0x47: {  	_ =	shalt  }
0x48: {  	_ =	shalt  }
0x49: {  	_ =	shalt  }
0x4a: {  	_ =	shalt  }
0x4b: {  	_ =	shalt  }
0x4c: {  	_ =	shalt  }
0x4d: {  	_ =	shalt  }
0x4e: {  	_ =	shalt  }
0x4f: {  	_ =	shalt  }
0x50: {  	_ =	shalt  }
0x51: {  	_ =	shalt  }
0x52: {  	_ =	shalt  }
0x53: {  	_ =	shalt  }
0x54: {  	_ =	shalt  }
0x55: {  	_ =	shalt  }
0x56: {  	_ =	shalt  }
0x57: {  	_ =	shalt  }
0x58: {  	_ =	shalt  }
0x59: {  	_ =	shalt  }
0x5a: {  	_ =	shalt  }
0x5b: {  	_ =	shalt  }
0x5c: {  	_ =	shalt  }
0x5d: {  	_ =	shalt  }
0x5e: {  	_ =	shalt  }
0x5f: {  	_ =	shalt  }
0x60: {  	_ =	shalt  }
0x61: {  	_ =	shalt  }
0x62: {  	_ =	shalt  }
0x63: {  	_ =	shalt  }
0x64: {  	_ =	shalt  }
0x65: {  	_ =	shalt  }
0x66: {  	_ =	shalt  }
0x67: {  	_ =	shalt  }
0x68: {  	_ =	shalt  }
0x69: {  	_ =	shalt  }
0x6a: {  	_ =	shalt  }
0x6b: {  	_ =	shalt  }
0x6c: {  	_ =	shalt  }
0x6d: {  	_ =	shalt  }
0x6e: {  	_ =	shalt  }
0x6f: {  	_ =	shalt  }
0x70: {  	_ =	shalt  }
0x71: {  	_ =	shalt  }
0x72: {  	_ =	shalt  }
0x73: {  	_ =	shalt  }
0x74: {  	_ =	shalt  }
0x75: {  	_ =	shalt  }
0x76: {  	_ =	shalt  }
0x77: {  	_ =	shalt  }
0x78: {  	_ =	shalt  }
0x79: {  	_ =	shalt  }
0x7a: {  	_ =	shalt  }
0x7b: {  	_ =	shalt  }
0x7c: {  	_ =	shalt  }
0x7d: {  	_ =	shalt  }
0x7e: {  	_ =	shalt  }
0x7f: {  	_ =	shalt  }
0x80: {  	_ =	shalt  }
0x81: {  	_ =	shalt  }
0x82: {  	_ =	shalt  }
0x83: {  	_ =	shalt  }
0x84: {  	_ =	shalt  }
0x85: {  	_ =	shalt  }
0x86: {  	_ =	shalt  }
0x87: {  	_ =	shalt  }
.Lfunc_end0:
.L_simem_size_0:
called_computation_lowered:
.L_overlay_start_0:
0x88: {  	s2 =	sld [smem:$0x3FD9]  }
0x89: {  	s3 =	sld [smem:$0x3FFE];
	_ =	sdelay $0x1  }
0x8a: {  	s1 =	srdreg.scid  }
0x8b: {  	s0 =	sand.u32 $0x1, s1  }
0x8c: {  	s17 =	sshll.u32 s0, $0xA;
	s2 =	sadd.s32 s3, s2  }
0x8d: {  	s2 =	sadd.s32 s2, s17  }
0x8e: {  	[smem:$0x3FC5] =	sst s2  }
0x8f: {  	_ = 	snop  }
0x90: {  	s18 =	sld [smem:$0x3FD0];
	(tm) =	ssettm $0x1  }
0x91: {  	s19 =	sld [smem:$0x3FFB];
	_ =	sdelay $0x3  }
0x92: {  	_ =	strace s19  }
0x93: {  	s2 =	sld [smem:$0x3FFC];
	_ =	sdelay $0x3  }
0x94: {  	_ =	strace s2  }
0x95: {  	s2 =	sld [smem:$0x3FFD];
	_ =	sdelay $0x3  }
0x96: {  	_ =	strace s2  }
0x97: {  	_ =	strace $0x8FFFFFFF  }
0x98: {  	s20 =	sld [smem:$0x3FDB];
	_ =	sdelay $0x1  }
0x99: {  	s4 =	simm.s32 $_scs_section_size  }
0x9a: {  	s5 =	simm.s32 $_size__tile_overlayer_lowered;
	s6 =	simm.s32 $_tile_overlayer_lowered  }
0x9b: {  	s7 =	simm.s32 $0x1BFF;
	s21 =	sshll.u32 s6, $0x1;
	s4 =	sadd.s32 s4, s20  }
0x9c: {  	s22 =	simm.s32 $0x0;
	s5 =	sshll.u32 s5, $0x1;
	s6 =	sadd.s32 s21, s4  }
0x9d: {  	[timem:s22], [sflag:s7] =	dma.local [hbm:s6], s5  }
0x9e: {  	_ =	swait.ge [sflag:s7], s5  }
0x9f: {  	s5 =	ssub.s32 $0x0, s5;
	[sflag:s7] =	ssyncset.done $0x0  }
0xa0: {  	[sflag:s7] =	ssyncadd.s32 s5;
	_ =	sdelay $0x1  }
0xa1: {  	s23 =	simm.s32 $0x1B8B  }
0xa2: {  	_ =	swait.ge [sflag:s23], $0x1  }
0xa3: {  	[sflag:s23] =	ssyncset.done $0x0  }
0xa4: {  	[sflag:s23] =	ssyncadd.s32 $0xFFFFFFFF  }
0xa5: {  	s5 =	sld [smem:$0x0]  }
0xa6: {  	s6 =	sand.u32 $0xFFFFFFFE, s1  }
0xa7: {  	p0 =	sne.s32 s1, s6  }
0xa8: {  	s6 =	sshll.u32 @p0 s6, $0xE  }
0xa9: {  	s6 =	sadd.s32 @p0 $0x11B8D, s6;
	s7 =	sshll.u32 @p0 s5, $0x11  }
0xaa: {  	s6 =	sor.u32 @p0 s7, s6  }
0xab: {  	[sflag:s6] =	ssyncadd.remote.s32 @p0 $0x1;
	_ =	sdelay $0x1  }
0xac: {  	s6 =	simm.s32 @p0 $0x1B8D  }
0xad: {  	_ =	swait.eq @p0 [sflag:s6], $0x1  }
0xae: {  	[sflag:s6] =	ssyncadd.s32 @p0 $0xFFFFFFFF  }
0xaf: {  	s7 =	sshll.u32 @!p0 s1, $0xE  }
0xb0: {  	s7 =	sor.u32 @!p0 $0x4000, s7;
	s6 =	simm.s32 @!p0 $0x1B8D  }
0xb1: {  	s5 =	sshll.u32 @!p0 s5, $0x11;
	s7 =	sadd.s32 @!p0 $0x11B8D, s7;
	_ =	swait.eq @!p0 [sflag:s6], $0x1  }
0xb2: {  	s5 =	sor.u32 @!p0 s5, s7;
	[sflag:s6] =	ssyncadd.s32 @!p0 $0xFFFFFFFF  }
0xb3: {  	s25 =	simm.s32 $0x1B8E;
	s24 =	sld [smem:$0x3FFE];
	[sflag:s5] =	ssyncadd.remote.s32 @!p0 $0x1  }
0xb4: {  	s26 =	simm.s32 $execute0_lowered;
	[smem:$0x3FD2] =	sst s25  }
0xb5: {  	s6 =	sshll.u32 s26, $0x1;
	_ =	strace $0x80000049;
	[dreg:$0x1] =	wrdreg $0xFFFFFFFF  }
0xb6: {  	s28 =	simm.s32 $_size_execute0_lowered;
	s4 =	sadd.s32 s4, s6;
	[dreg:$0x0] =	wrdreg $0x0  }
0xb7: {  	s6 =	sshll.u32 s28, $0x1;
	[dreg:$0x2] =	wrdreg s4  }
0xb8: {  	[dreg:$0x3] =	wrdreg s6  }
0xb9: {  	[dreg:$0x4] =	wrdreg $0xC0  }
0xba: {  	_ =	task [dreg:s22], $0x5FFFF  }
0xbb: {  	[dreg:$0x1] =	wrdreg $0xFFFFFFFF  }
0xbc: {  	[dreg:$0x0] =	wrdreg $0x60  }
0xbd: {  	[dreg:$0x2] =	wrdreg s24  }
0xbe: {  	[dreg:$0x3] =	wrdreg s18  }
0xbf: {  	[dreg:$0x4] =	wrdreg $0x9  }
0xc0: {  	_ =	task.clear_ibuf [dreg:s22], $0x5FFFF;
	_ =	strace $0x90000049  }
0xc1: {  	s29 =	simm.s32 $0x9;
	_ =	strace $0x8000004B  }
0xc2: {  	_ =	swait.ge [sflag:s29], $0x1  }
0xc3: {  	[sflag:s29] =	ssyncadd.s32 $0xFFFFFFFF  }
0xc4: {  	_ =	strace $0x9000004B  }
0xc5: {  	_ =	sfence  }
0xc6: {  	s30 =	sld [smem:$0x0];
	_ =	sdelay $0x2  }
0xc7: {  	s31 =	sshll.u32 s1, $0xD;
	s1 =	sshrl.u32 s1, $0x2  }
0xc8: {  	s4 =	sand.u32 $0x4000, s31;
	s1 =	sadd.s32 s1, s30  }
0xc9: {  	s0 =	sor.u32 s4, s0;
	s1 =	sshll.u32 s1, $0x11  }
0xca: {  	s0 =	sor.u32 s1, s0  }
0xcb: {  	s0 =	sadd.s32 $0x8F2B, s0  }
0xcc: {  	[sflag:s0] =	ssyncadd.remote.s32 $0x1  }
0xcd: {  	_ =	sfence.sel $0xFFFF  }
0xce: {  	[dreg:$0x0] =	wrdreg $0xFFFFFFFF;
	(pc) =	sbr.abs _section_cstart, $3  }
0xcf: {  	[dreg:$0x1] =	wrdreg $0xFFFFFFFF  }
0xd0: {  	_ =	task.clear_ibuf [dreg:s22], $0x2FFFF;
	_ =	strace $0x9FFFFFFF  }
0xd1: {  	(tm) =	ssettm $0x7FFFFFFF  }
tec
execute0_lowered:
.L_overlay_start_1:
0x0: {  	(tag) =	ssettag $0x1  }
0x1: {  	s0 =	srdreg.scid  }
0x2: {  	s1 =	sshll.u32 s0, $0x4  }
0x3: {  	s0 =	stileid.u32;
	s1 =	sand.u32 $0x10, s1  }
0x4: {  	s9 =	rddreg [dreg:$0x0];
	s1 =	sor.u32 s0, s1  }
0x5: {  	s3 =	rddreg [dreg:$0x1];
	s2 =	smin.u32 s1, $0x12  }
0x6: {  	p0 =	slt.u32 s1, $0x12;
	s2 =	sadd.s32 s1, s2;
	s1 =	simm.s32 $0x40  }
0x7: {  	s6 =	simm.s32 $0x1;
	s2 =	sshll.u32 s2, $0x5;
	s1 =	simm.s32 @!p0 $0x20  }
0x8: {  	s7 =	simm.s32 $0x2;
	s10 =	simm.s32 $0x3;
	s4 =	sadd.s32 s1, s2  }
0x9: {  	s13 =	simm.s32 $0x0;
	s12 =	simm.s32 $0x0;
	s4 =	smin.u32 s4, $0x640  }
.Ltmp0:
0xa: {  	s5 =	sadd.s32 $0x407800, s9;
	s8 =	ssub.s32 s4, s2;
	(pc) =	sbr.rel .LBB2_1-.Ltmp0, $4  }
0xb: {  	s1 =	rddreg [dreg:$0x2];
	_ =	strace $0x8000004A;
	p0 =	sgt.s32 s8, $0x0  }
0xc: {  	s9 =	sadd.s32 $0x807800, s9;
	[sflag:s6] =	ssyncpa.u1 $0x0;
	s8 =	simm.s32 @!p0 $0x0  }
0xd: {  	s11 =	smov.u32 s2;
	[sflag:s7] =	ssyncpa.u1 $0x0;
	s8 =	sshrl.u32 s8, $0x5  }
0xe: {  	vm0 =	vmmov $0xff;
	vm1 =	vcmask $0x3F20;
	[sflag:s10] =	ssyncpa.u1 $0x0;
	p0 =	por $0x0, $0x0;
	s10 =	sadd.s32 $0x1, s8  }
.LBB2_6:
0xf: {  	[hbm:s17] =	stream.linear.scatter [tilespmem:s14], [sflag:$0x3], $0x400, $0x38;
	[tilespmem:$0x2040] =	vst v63  }
.LBB2_7:
0x10: {  	s13 =	sadd.s32 $0x20, s11  }
0x11: {  	s15 =	smov.u32 s2;
	p2 =	slt.s32 s13, s4  }
0x12: {  	s15 =	smov.u32 @p2 s13;
	p2 =	sne.s32 s12, s10  }
.Ltmp1:
0x13: {  	p1 =	slt.u32 s12, $0x2;
	(pc) =	sbr.rel @!p2 .LBB2_8-.Ltmp1, $4  }
0x14: {  	s14 =	simm.s32 @!p1 $0x3  }
0x15: {  	s16 =	sadd.s32 $0x1, s12;
	_ =	swait.ge @!p1 [sflag:s14], $0x1000  }
0x16: {  	p0 =	por !p0, !p0;
	s13 =	smov.u32 s11;
	[sflag:s14] =	ssyncset.done @!p1 $0x0  }
0x17: {  	s12 =	smov.u32 s16;
	s11 =	smov.u32 s15;
	[sflag:s14] =	ssyncadd.s32 @!p1 $0xFFFFF000  }
.LBB2_1:
0x18: {  	p1 =	sge.u32 s12, s8  }
0x19: {  	s14 =	sxor.u32 @!p1 $0xFFFFFFFF, s12  }
0x1a: {  	s31 =	sadd.s32 $0xFFFFFFFF, s12;
	s15 =	sshrl.u32 @!p1 s11, $0x3;
	s14 =	sshll.u32 @!p1 s14, $0x5  }
0x1b: {  	s16 =	sand.u32 @!p1 $0x7, s11;
	s15 =	sadd.s32 @!p1 s3, s15;
	s14 =	sand.u32 @!p1 $0x20, s14  }
0x1c: {  	[tilespmem:s14], [sflag:$0x2] =	stream.linear.gather @!p1 [hbm4b:s15+s16], $0x20, $0x38;
	[tilespmem:$0x2040] =	vst v63  }
0x1d: {  	p1 =	sge.u32 s31, s8  }
.Ltmp2:
0x1e: {  	_ = 	snop;
	(pc) =	sbr.rel @p1 .LBB2_7-.Ltmp2, $1  }
0x1f: {  	_ =	sdelay $0x3  }
0x20: {  	s14 =	simm.s32 $0x1  }
0x21: {  	_ =	swait.ge [sflag:s7], $0x20;
	s16 =	sand.u32 $0x1, s12;
	s17 =	simm.s32 $0x0  }
0x22: {  	p1 =	por $0x1, $0x1;
	s14 =	simm.s32 @!p0 $0x0;
	[sflag:s7] =	ssyncset.done $0x0  }
0x23: {  	s15 =	sshll.u32 s16, $0x5;
	s16 =	sshll.u32 s16, $0xC;
	s14 =	sshll.u32 s14, $0xC  }
0x24: {  	[sflag:s7] =	ssyncadd.s32 $0xFFFFFFE0;
	s16 =	sor.u32 $0x40, s16;
	s14 =	sor.u32 $0x40, s14  }
.LBB2_3:
0x25: {  	s18 =	sshll.u32 s17, $0x4  }
0x26: {  	s18 =	sand.u32 $0x3FFFFFF0, s18  }
0x27: {  	s18 =	sadd.s32 s18, s15  }
0x28: {  	v0 =	vld.msk [tilespmem:s18+$0x0 ss:$0x1], $0xffff;
	_ =	sdelay $0x4  }
0x29: {  	v1 =	vshll.u32 v0, $0x3  }
0x2a: {  	vm2 =	veq.s32 v0, $0x80000000;
	v0 =	vshll.u32 v0, $0x15;
	v1 =	vand.u32 $0x1FFF80, v1  }
0x2b: {  	v0 =	vand.u32 $0x1E00000, v0;
	v1 =	vsel vm2, $0xFFFFFF80, v1  }
0x2c: {  	v0 =	vsel vm2, $0xFFE00000, v0;
	v2 =	vand.u32 $0xFFFFFC00, v1  }
0x2d: {  	v1 =	vand.u32 $0x380, v1;
	v0 =	vadd.s32 v0, v2  }
0x2e: {  	v0 =	vor.u32 v1, v0  }
0x2f: {  	v0 =	vshrl.u32 v0, $0x3;
	_ =	sdelay $0x1  }
0x30: {  	s31 =	sshll.u32 s17, $0xB  }
0x31: {  	p2 =	por p1, p1;
	s17 =	sand.u32 $0x3FFFF800, s31  }
.Ltmp3:
0x32: {  	s17 =	sadd.s32 s17, s16;
	(pc) =	sbr.rel @p2 .LBB2_3-.Ltmp3, $4  }
0x33: {  	[tilespmem:s17], [sflag:$0x1] =	stream.indirect_vreg.gather [hbm:s5], $0x80, v0, vm0, $0x38;
	[tilespmem:$0x2040] =	vst v63  }
0x34: {  	s17 =	sadd.s32 $0x400, s17  }
0x35: {  	[tilespmem:s17], [sflag:$0x1] =	stream.indirect_vreg.gather [hbm:s5], $0x80, v0, vm1, $0x38;
	[tilespmem:$0x2040] =	vst v63  }
0x36: {  	p1 =	por $0x0, $0x0;
	s17 =	simm.s32 $0x1  }
0x37: {  	_ =	swait.ge [sflag:s6], $0x1000;
	s13 =	sshll.u32 s13, $0x4  }
0x38: {  	s15 =	simm.s32 $0x80;
	[sflag:s6] =	ssyncset.done $0x0;
	s13 =	sadd.s32 s13, s9  }
0x39: {  	s16 =	sadd.s32 $0x400, s14;
	[sflag:s6] =	ssyncadd.s32 $0xFFFFF000;
	s17 =	sadd.s32 $0x0, s13  }
.LBB2_5:
0x3a: {  	[hbm:s17] =	stream.linear.scatter [tilespmem:s14], [sflag:$0x3], $0x400, $0x38;
	[tilespmem:$0x2040] =	vst v63  }
0x3b: {  	s17 =	smov.u32 s15;
	s14 =	smov.u32 s16;
	p1 =	sne.s32 s15, $0x180  }
.Ltmp4:
0x3c: {  	s15 =	sadd.s32 $0x80, s15;
	(pc) =	sbr.rel @p1 .LBB2_5-.Ltmp4, $2  }
0x3d: {  	_ =	sdelay $0x2  }
0x3e: {  	s16 =	sadd.s32 $0x400, s16;
	s17 =	sadd.s32 s17, s13  }
.Ltmp5:
0x3f: {  	_ = 	snop;
	(pc) =	sbr.rel .LBB2_6-.Ltmp5, $1  }
0x40: {  	_ =	sdelay $0x3  }
.LBB2_8:
0x41: {  	_ =	sfence.sel $0x180000  }
0x42: {  	s2 =	simm.s32 $0x2;
	[bflag:$0x0] =	sbarrier.arrive $0xFFFF  }
0x43: {  	s30 =	simm.s32 $0x3;
	[sflag:s2] =	ssyncpa.u1 $0x1  }
0x44: {  	s31 =	simm.s32 $0x1;
	[sflag:s30] =	ssyncpa.u1 $0x1  }
0x45: {  	[sflag:s31] =	ssyncpa.u1 $0x1  }
0x46: {  	p0 =	sne.s32 s0, $0x0;
	_ =	strace $0x9000004A  }
0x47: {  	s0 =	sadd.s32 @!p0 $0x100000, s1;
	[bflag:$0x2] =	sbarrier.arrive $0xFFFF  }
0x48: {  	[sflag:s0] =	ssyncadd.tile.s32 @!p0 $0x1;
	_ =	shalt  }
.Lfunc_end2:
_tile_overlayer_lowered:
.L_overlay_start_2:
0x49: {  	(tag) =	ssettag $0x2  }
0x4a: {  	s0 =	rddreg [dreg:$0x0];
	s2 =	stileid.u32  }
0x4b: {  	s1 =	rddreg [dreg:$0x1];
	p0 =	sne.s32 s2, $0x0  }
0x4c: {  	s3 =	rddreg [dreg:$0x2];
	[bflag:$0x3] =	sbarrier.arrive $0xFFFF;
	s2 =	simm.s32 @!p0 $0x1C01  }
0x4d: {  	[timem:s3], [sflag:s2] =	dma.local @!p0 [hbm:s0], s1  }
0x4e: {  	s0 =	simm.s32 @!p0 $0x1  }
0x4f: {  	_ =	swait.ge @!p0 [sflag:s0], s1  }
0x50: {  	s1 =	ssub.s32 @!p0 $0x0, s1;
	[sflag:s0] =	ssyncset.done @!p0 $0x0  }
0x51: {  	[sflag:s0] =	ssyncadd.s32 @!p0 s1  }
0x52: {  	[bflag:$0x3] =	sbarrier.arrive $0xFFFF  }
0x53: {  	_ =	shalt  }

</sc_bundles>
